<compile_context>
chip_gen: v7x
topology: tpu7x:2x2x1
jax: 0.10.2.dev20260603
libtpu: 0.0.44.dev20260713+nightly
codegen_flags: <defaults>
</compile_context>

<pallas_src>
import functools

import jax
import jax.numpy as jnp
from jax import lax
from jax.experimental import pallas as pl
from jax.experimental.pallas import tpu as pltpu
from jax.experimental.pallas import tpu_sc as plsc

_NE = 1024
_D = 64
_HW = 1024
_B = 32
_NB = 8
_NELEM = _B * _D * _HW
_TCHUNK = 256


def _vq_body(x_ref, w_ref, idx_ref, loss_ref, acc_ref):
    i = pl.program_id(0)
    n = pl.num_programs(0)
    w = w_ref[...]
    w2 = w + w
    wsq = jnp.sum(w * w, axis=1, keepdims=True)
    part = jnp.zeros((1, 1), jnp.float32)
    for j in range(_NB):
        xc = x_ref[j]
        xsq = jnp.sum(xc * xc, axis=0, keepdims=True)
        m2 = jax.lax.dot_general(w2, xc, (((1,), (0,)), ((), ())),
                                 preferred_element_type=jnp.float32)
        dist = (xsq + wsq) - m2
        dmin = jnp.min(dist, axis=0, keepdims=True)
        ids = jax.lax.broadcasted_iota(jnp.int32, dist.shape, 0)
        idx = jnp.min(jnp.where(dist == dmin, ids, _NE), axis=0, keepdims=True)
        idx_ref[pl.ds(j, 1), :] = idx
        part = part + jnp.sum(dmin, axis=1, keepdims=True)

    @pl.when(i == 0)
    def _init():
        acc_ref[...] = part

    @pl.when(i > 0)
    def _acc():
        acc_ref[...] += part

    @pl.when(i == n - 1)
    def _fini():
        mean = acc_ref[0, 0] * (1.0 / _NELEM)
        loss_ref[0, 0] = mean + 0.25 * mean


def _sc_gather(w_hbm, idx_hbm, out_hbm, idx_a, idx_b, rows_v, sem):
    c = lax.axis_index("c")
    s = lax.axis_index("s")
    wid = s * 2 + c
    base = wid * _HW
    half = _HW // 2
    pltpu.sync_copy(idx_hbm.at[pl.ds(base, half)], idx_a)
    pltpu.sync_copy(idx_hbm.at[pl.ds(base + half, half)], idx_b)
    pltpu.async_copy(w_hbm.at[idx_a], rows_v, sem).wait()
    pltpu.sync_copy(rows_v, out_hbm.at[pl.ds(base, half)])
    pltpu.async_copy(w_hbm.at[idx_b], rows_v, sem).wait()
    pltpu.sync_copy(rows_v, out_hbm.at[pl.ds(base + half, half)])


def kernel(inputs, W):
    shp = inputs.shape
    x3 = inputs.reshape(_B, _D, _HW)
    idx, loss = pl.pallas_call(
        _vq_body,
        grid=(_B // _NB,),
        in_specs=[
            pl.BlockSpec((_NB, _D, _HW), lambda i: (i, 0, 0)),
            pl.BlockSpec((_NE, _D), lambda i: (0, 0)),
        ],
        out_specs=[
            pl.BlockSpec((_NB, _HW), lambda i: (i, 0)),
            pl.BlockSpec(memory_space=pltpu.SMEM),
        ],
        out_shape=[
            jax.ShapeDtypeStruct((_B, _HW), jnp.int32),
            jax.ShapeDtypeStruct((1, 1), jnp.float32),
        ],
        scratch_shapes=[pltpu.VMEM((1, 1), jnp.float32)],
    )(x3, W)

    wp = jnp.pad(W, ((0, 0), (0, 128 - _D)))
    mesh = plsc.VectorSubcoreMesh(core_axis_name="c", subcore_axis_name="s")
    gat = functools.partial(
        pl.kernel, mesh=mesh,
        out_type=jax.ShapeDtypeStruct((_B * _HW, 128), jnp.float32),
        scratch_types=[
            pltpu.VMEM((_HW // 2,), jnp.int32),
            pltpu.VMEM((_HW // 2,), jnp.int32),
            pltpu.VMEM((_HW // 2, 128), jnp.float32),
            pltpu.SemaphoreType.DMA,
        ],
    )(_sc_gather)
    qf = gat(wp, idx.reshape(-1))
    q = jnp.transpose(qf.reshape(_B, 32, 32, 128)[..., :_D], (0, 3, 1, 2))
    return q, loss[0, 0]

# --- scband reference (transcript-rebuilt; emitter-appended) ---
"""Pipeline reference for scband-vector-quantizer-52690658788133 (READ-ONLY COPY).

The authoritative reference and input builder live on the scoring server;
editing this copy changes nothing except your own understanding.
"""

import jax, jax.numpy as jnp
import numpy as np

NUM_EMBEDDINGS = 1024
EMBEDDING_DIM = 64
COMMITMENT_COST = 0.25


def setup_inputs(seed: int = 0) -> dict:
    key = jax.random.key(seed)
    k1, k2 = jax.random.split(key)
    inputs = jax.random.normal(k1, (32, EMBEDDING_DIM, 32, 32), dtype=jnp.float32)
    W = jax.random.uniform(k2, (NUM_EMBEDDINGS, EMBEDDING_DIM), dtype=jnp.float32,
                           minval=-1.0 / NUM_EMBEDDINGS, maxval=1.0 / NUM_EMBEDDINGS)
    return {"inputs": inputs, "W": W}


def reference(inputs, W):
    input_shape = inputs.shape
    # NCHW -> NHWC -> flat [B*H*W, D]
    flat_input = jnp.transpose(inputs, (0, 2, 3, 1)).reshape(-1, EMBEDDING_DIM)
    distances = (jnp.sum(flat_input ** 2, axis=1, keepdims=True)
                 + jnp.sum(W ** 2, axis=1)
                 - 2.0 * jnp.matmul(flat_input, W.T)
                 + 1e-08)
    encoding_indices = jnp.argmin(distances, axis=1)
    encodings = jax.nn.one_hot(encoding_indices, NUM_EMBEDDINGS, dtype=jnp.float32)
    quantized = jnp.matmul(encodings, W)
    quantized = quantized.reshape(input_shape[0], input_shape[2], input_shape[3], EMBEDDING_DIM)
    quantized = jnp.transpose(quantized, (0, 3, 1, 2))
    e_latent_loss = jnp.mean((jax.lax.stop_gradient(quantized) - inputs) ** 2)
    q_latent_loss = jnp.mean((quantized - jax.lax.stop_gradient(inputs)) ** 2)
    loss = q_latent_loss + COMMITMENT_COST * e_latent_loss
    quantized_st = inputs + jax.lax.stop_gradient(quantized - inputs)
    return (quantized_st, loss)

if __name__ == "__main__":
    import jax
    _d = setup_inputs()
    print(jax.jit(kernel)(*tuple(_d.values())))

</pallas_src>

<mosaic_0001>
#map = affine_map<(d0, d1) -> (0, 0)>
#map1 = affine_map<(d0, d1) -> (0)>
module attributes {stable_mosaic.version = 14 : i64} {
  func.func @_sc_gather(%arg0: i32, %arg1: i32, %arg2: memref<1024x128xf32, #tpu.memory_space<hbm>>, %arg3: memref<32768xi32, #tpu.memory_space<hbm>>, %arg4: memref<32768x128xf32, #tpu.memory_space<hbm>>, %arg5: memref<512xi32, #tpu.memory_space<vmem>>, %arg6: memref<512xi32, #tpu.memory_space<vmem>>, %arg7: memref<512x128xf32, #tpu.memory_space<vmem>>, %arg8: memref<!tpu.dma_semaphore, #tpu.memory_space<semaphore_mem>>) attributes {dimension_semantics = [#tpu.dimension_semantics<core_parallel>, #tpu.dimension_semantics<subcore_parallel>], iteration_bounds = array<i64: 2, 16>, scalar_prefetch = 0 : i64, scratch_operands = 4 : i64, tpu.core_type = #tpu.core_type<sc_vector_subcore>, window_params = [{transform_indices = #map}, {transform_indices = #map1}, {transform_indices = #map}]} {
    %mul3A = arith.constant 2 : i32
    %mul3A_0 = arith.muli %arg1, %mul3A : i32
    %add3A = arith.addi %mul3A_0, %arg0 : i32
    %mul3A_1 = arith.constant 1024 : i32
    %mul3A_2 = arith.muli %add3A, %mul3A_1 : i32
    "tpu.region"() ({
      %run_scoped3A = tpu.sem_alloc : memref<!tpu.dma_semaphore, #tpu.memory_space<semaphore_mem>>
      %dma_start3A_17 = tpu.memref_slice %arg3[%mul3A_2] : memref<32768xi32, #tpu.memory_space<hbm>> -> memref<512xi32, #tpu.memory_space<hbm>>
      %dma_start3A_18 = tpu.memref_slice %arg3[%mul3A_2] : memref<32768xi32, #tpu.memory_space<hbm>> -> memref<512xi32, #tpu.memory_space<hbm>>
      tpu.enqueue_dma source(%dma_start3A_18 : memref<512xi32, #tpu.memory_space<hbm>>) target(%arg5 : memref<512xi32, #tpu.memory_space<vmem>>) target_semaphore(%run_scoped3A : memref<!tpu.dma_semaphore, #tpu.memory_space<semaphore_mem>>)
      %dma_wait3A_19 = tpu.memref_slice %arg3[%mul3A_2] : memref<32768xi32, #tpu.memory_space<hbm>> -> memref<512xi32, #tpu.memory_space<hbm>>
      %dma_wait3A_20 = tpu.memref_slice %arg3[%mul3A_2] : memref<32768xi32, #tpu.memory_space<hbm>> -> memref<512xi32, #tpu.memory_space<hbm>>
      tpu.wait_dma2 semaphore(%run_scoped3A : memref<!tpu.dma_semaphore, #tpu.memory_space<semaphore_mem>>) src(%dma_wait3A_20 : memref<512xi32, #tpu.memory_space<hbm>>) dst(%arg5 : memref<512xi32, #tpu.memory_space<vmem>>)
      tpu.yield
    }) : () -> ()
    %add3A_3 = arith.constant 512 : i32
    %add3A_4 = arith.addi %mul3A_2, %add3A_3 : i32
    "tpu.region"() ({
      %run_scoped3A = tpu.sem_alloc : memref<!tpu.dma_semaphore, #tpu.memory_space<semaphore_mem>>
      %dma_start3A_17 = tpu.memref_slice %arg3[%add3A_4] : memref<32768xi32, #tpu.memory_space<hbm>> -> memref<512xi32, #tpu.memory_space<hbm>>
      %dma_start3A_18 = tpu.memref_slice %arg3[%add3A_4] : memref<32768xi32, #tpu.memory_space<hbm>> -> memref<512xi32, #tpu.memory_space<hbm>>
      tpu.enqueue_dma source(%dma_start3A_18 : memref<512xi32, #tpu.memory_space<hbm>>) target(%arg6 : memref<512xi32, #tpu.memory_space<vmem>>) target_semaphore(%run_scoped3A : memref<!tpu.dma_semaphore, #tpu.memory_space<semaphore_mem>>)
      %dma_wait3A_19 = tpu.memref_slice %arg3[%add3A_4] : memref<32768xi32, #tpu.memory_space<hbm>> -> memref<512xi32, #tpu.memory_space<hbm>>
      %dma_wait3A_20 = tpu.memref_slice %arg3[%add3A_4] : memref<32768xi32, #tpu.memory_space<hbm>> -> memref<512xi32, #tpu.memory_space<hbm>>
      tpu.wait_dma2 semaphore(%run_scoped3A : memref<!tpu.dma_semaphore, #tpu.memory_space<semaphore_mem>>) src(%dma_wait3A_20 : memref<512xi32, #tpu.memory_space<hbm>>) dst(%arg6 : memref<512xi32, #tpu.memory_space<vmem>>)
      tpu.yield
    }) : () -> ()
    %dma_start3A = arith.constant 0 : i32
    %dma_start3A_5 = arith.constant 0 : i32
    %dma_start3A_6 = tpu.memref_slice %arg2[%dma_start3A, %dma_start3A_5] : memref<1024x128xf32, #tpu.memory_space<hbm>> -> memref<1024x128xf32, #tpu.memory_space<hbm>>
    tpu.enqueue_indirect_dma source(%dma_start3A_6 : memref<1024x128xf32, #tpu.memory_space<hbm>>) target(%arg7 : memref<512x128xf32, #tpu.memory_space<vmem>>) offsets(%arg5 : memref<512xi32, #tpu.memory_space<vmem>>) semaphore(%arg8 : memref<!tpu.dma_semaphore, #tpu.memory_space<semaphore_mem>>)
    %dma_wait3A = arith.constant 0 : i32
    %dma_wait3A_7 = arith.constant 0 : i32
    %dma_wait3A_8 = tpu.memref_slice %arg2[%dma_wait3A, %dma_wait3A_7] : memref<1024x128xf32, #tpu.memory_space<hbm>> -> memref<1024x128xf32, #tpu.memory_space<hbm>>
    tpu.wait_indirect_dma semaphore(%arg8 : memref<!tpu.dma_semaphore, #tpu.memory_space<semaphore_mem>>) src(%dma_wait3A_8 : memref<1024x128xf32, #tpu.memory_space<hbm>>) dst(%arg7 : memref<512x128xf32, #tpu.memory_space<vmem>>)
    "tpu.region"() ({
      %run_scoped3A = tpu.sem_alloc : memref<!tpu.dma_semaphore, #tpu.memory_space<semaphore_mem>>
      %dma_start3A_17 = arith.constant 0 : i32
      %dma_start3A_18 = tpu.memref_slice %arg4[%mul3A_2, %dma_start3A_17] : memref<32768x128xf32, #tpu.memory_space<hbm>> -> memref<512x128xf32, #tpu.memory_space<hbm>>
      %dma_start3A_19 = arith.constant 0 : i32
      %dma_start3A_20 = tpu.memref_slice %arg4[%mul3A_2, %dma_start3A_19] : memref<32768x128xf32, #tpu.memory_space<hbm>> -> memref<512x128xf32, #tpu.memory_space<hbm>>
      tpu.enqueue_dma source(%arg7 : memref<512x128xf32, #tpu.memory_space<vmem>>) target(%dma_start3A_20 : memref<512x128xf32, #tpu.memory_space<hbm>>) target_semaphore(%run_scoped3A : memref<!tpu.dma_semaphore, #tpu.memory_space<semaphore_mem>>)
      %dma_wait3A_21 = arith.constant 0 : i32
      %dma_wait3A_22 = tpu.memref_slice %arg4[%mul3A_2, %dma_wait3A_21] : memref<32768x128xf32, #tpu.memory_space<hbm>> -> memref<512x128xf32, #tpu.memory_space<hbm>>
      %dma_wait3A_23 = arith.constant 0 : i32
      %dma_wait3A_24 = tpu.memref_slice %arg4[%mul3A_2, %dma_wait3A_23] : memref<32768x128xf32, #tpu.memory_space<hbm>> -> memref<512x128xf32, #tpu.memory_space<hbm>>
      tpu.wait_dma2 semaphore(%run_scoped3A : memref<!tpu.dma_semaphore, #tpu.memory_space<semaphore_mem>>) src(%arg7 : memref<512x128xf32, #tpu.memory_space<vmem>>) dst(%dma_wait3A_24 : memref<512x128xf32, #tpu.memory_space<hbm>>)
      tpu.yield
    }) : () -> ()
    %dma_start3A_9 = arith.constant 0 : i32
    %dma_start3A_10 = arith.constant 0 : i32
    %dma_start3A_11 = tpu.memref_slice %arg2[%dma_start3A_9, %dma_start3A_10] : memref<1024x128xf32, #tpu.memory_space<hbm>> -> memref<1024x128xf32, #tpu.memory_space<hbm>>
    tpu.enqueue_indirect_dma source(%dma_start3A_11 : memref<1024x128xf32, #tpu.memory_space<hbm>>) target(%arg7 : memref<512x128xf32, #tpu.memory_space<vmem>>) offsets(%arg6 : memref<512xi32, #tpu.memory_space<vmem>>) semaphore(%arg8 : memref<!tpu.dma_semaphore, #tpu.memory_space<semaphore_mem>>)
    %dma_wait3A_12 = arith.constant 0 : i32
    %dma_wait3A_13 = arith.constant 0 : i32
    %dma_wait3A_14 = tpu.memref_slice %arg2[%dma_wait3A_12, %dma_wait3A_13] : memref<1024x128xf32, #tpu.memory_space<hbm>> -> memref<1024x128xf32, #tpu.memory_space<hbm>>
    tpu.wait_indirect_dma semaphore(%arg8 : memref<!tpu.dma_semaphore, #tpu.memory_space<semaphore_mem>>) src(%dma_wait3A_14 : memref<1024x128xf32, #tpu.memory_space<hbm>>) dst(%arg7 : memref<512x128xf32, #tpu.memory_space<vmem>>)
    %add3A_15 = arith.constant 512 : i32
    %add3A_16 = arith.addi %mul3A_2, %add3A_15 : i32
    "tpu.region"() ({
      %run_scoped3A = tpu.sem_alloc : memref<!tpu.dma_semaphore, #tpu.memory_space<semaphore_mem>>
      %dma_start3A_17 = arith.constant 0 : i32
      %dma_start3A_18 = tpu.memref_slice %arg4[%add3A_16, %dma_start3A_17] : memref<32768x128xf32, #tpu.memory_space<hbm>> -> memref<512x128xf32, #tpu.memory_space<hbm>>
      %dma_start3A_19 = arith.constant 0 : i32
      %dma_start3A_20 = tpu.memref_slice %arg4[%add3A_16, %dma_start3A_19] : memref<32768x128xf32, #tpu.memory_space<hbm>> -> memref<512x128xf32, #tpu.memory_space<hbm>>
      tpu.enqueue_dma source(%arg7 : memref<512x128xf32, #tpu.memory_space<vmem>>) target(%dma_start3A_20 : memref<512x128xf32, #tpu.memory_space<hbm>>) target_semaphore(%run_scoped3A : memref<!tpu.dma_semaphore, #tpu.memory_space<semaphore_mem>>)
      %dma_wait3A_21 = arith.constant 0 : i32
      %dma_wait3A_22 = tpu.memref_slice %arg4[%add3A_16, %dma_wait3A_21] : memref<32768x128xf32, #tpu.memory_space<hbm>> -> memref<512x128xf32, #tpu.memory_space<hbm>>
      %dma_wait3A_23 = arith.constant 0 : i32
      %dma_wait3A_24 = tpu.memref_slice %arg4[%add3A_16, %dma_wait3A_23] : memref<32768x128xf32, #tpu.memory_space<hbm>> -> memref<512x128xf32, #tpu.memory_space<hbm>>
      tpu.wait_dma2 semaphore(%run_scoped3A : memref<!tpu.dma_semaphore, #tpu.memory_space<semaphore_mem>>) src(%arg7 : memref<512x128xf32, #tpu.memory_space<vmem>>) dst(%dma_wait3A_24 : memref<512x128xf32, #tpu.memory_space<hbm>>)
      tpu.yield
    }) : () -> ()
    return
  }
}

module attributes {stable_mosaic.version = 14 : i64} {
  func.func @_vq_body(%arg0: i32, %arg1: memref<8x64x1024xf32, #tpu.memory_space<vmem>>, %arg2: memref<1024x64xf32, #tpu.memory_space<vmem>>, %arg3: memref<8x1024xi32, #tpu.memory_space<vmem>>, %arg4: memref<1x1xf32, #tpu.memory_space<smem>>, %arg5: memref<1x1xf32, #tpu.memory_space<vmem>>) attributes {dimension_semantics = [#tpu.dimension_semantics<arbitrary>], iteration_bounds = array<i64: 4>, scalar_prefetch = 0 : i64, scratch_operands = 1 : i64, tpu.core_type = #tpu.core_type<tc>, window_params = [{transform_indices = @transform_0, window_bounds = array<i64: 8, 64, 1024>}, {pipeline_mode = #tpu.pipeline_mode<synchronous>, transform_indices = @transform_1, window_bounds = array<i64: 1024, 64>}, {transform_indices = @transform_2, window_bounds = array<i64: 8, 1024>}, {transform_indices = @transform_3, window_bounds = array<i64: 1, 1>}]} {
    %get3A = arith.constant 0 : index
    %get3A_0 = arith.constant 0 : index
    %get3A_1 = vector.load %arg2[%get3A, %get3A_0] : memref<1024x64xf32, #tpu.memory_space<vmem>>, vector<1024x64xf32>
    %add3A = arith.addf %get3A_1, %get3A_1 : vector<1024x64xf32>
    %mul3A = arith.mulf %get3A_1, %get3A_1 : vector<1024x64xf32>
    %reduce_sum3A = arith.constant dense<0.000000e+00> : vector<1024xf32>
    %reduce_sum3A_2 = vector.multi_reduction <add>, %mul3A, %reduce_sum3A [1] : vector<1024x64xf32> to vector<1024xf32>
    %broadcast_in_dim3A = vector.shape_cast %reduce_sum3A_2 : vector<1024xf32> to vector<1024x1xf32>
    %broadcast_in_dim3A_3 = arith.constant 0.000000e+00 : f32
    %broadcast_in_dim3A_4 = vector.broadcast %broadcast_in_dim3A_3 : f32 to vector<1x1xf32>
    %get3A_5 = arith.constant 0 : index
    %get3A_6 = arith.constant 0 : index
    %get3A_7 = arith.constant 0 : index
    %get3A_8 = vector.load %arg1[%get3A_5, %get3A_6, %get3A_7] : memref<8x64x1024xf32, #tpu.memory_space<vmem>>, vector<1x64x1024xf32>
    %get3A_9 = vector.shape_cast %get3A_8 : vector<1x64x1024xf32> to vector<64x1024xf32>
    %mul3A_10 = arith.mulf %get3A_9, %get3A_9 : vector<64x1024xf32>
    %reduce_sum3A_11 = arith.constant dense<0.000000e+00> : vector<1024xf32>
    %reduce_sum3A_12 = vector.multi_reduction <add>, %mul3A_10, %reduce_sum3A_11 [0] : vector<64x1024xf32> to vector<1024xf32>
    %broadcast_in_dim3A_13 = vector.shape_cast %reduce_sum3A_12 : vector<1024xf32> to vector<1x1024xf32>
    %dot_general3A = arith.constant dense<0.000000e+00> : vector<1024x1024xf32>
    %dot_general3A_14 = tpu.matmul %add3A, %get3A_9, %dot_general3A {dimension_numbers = #tpu.dot_dimension_numbers<[1], [0], [0], [1], [0, 0, 1, 1], [], []>, transpose_lhs_hint = false} : vector<1024x64xf32>, vector<64x1024xf32>, vector<1024x1024xf32> -> vector<1024x1024xf32>
    %add3A_15 = vector.broadcast %broadcast_in_dim3A_13 : vector<1x1024xf32> to vector<1024x1024xf32>
    %add3A_16 = vector.broadcast %broadcast_in_dim3A : vector<1024x1xf32> to vector<1024x1024xf32>
    %add3A_17 = arith.addf %add3A_15, %add3A_16 : vector<1024x1024xf32>
    %sub3A = arith.subf %add3A_17, %dot_general3A_14 : vector<1024x1024xf32>
    %reduce_min3A = arith.constant dense<0x7F800000> : vector<1024xf32>
    %reduce_min3A_18 = vector.multi_reduction <minimumf>, %sub3A, %reduce_min3A [0] : vector<1024x1024xf32> to vector<1024xf32>
    %broadcast_in_dim3A_19 = vector.shape_cast %reduce_min3A_18 : vector<1024xf32> to vector<1x1024xf32>
    %iota3A = tpu.iota {dimensions = array<i32: 0>} : vector<1024x1024xi32>
    %eq3A = vector.broadcast %broadcast_in_dim3A_19 : vector<1x1024xf32> to vector<1024x1024xf32>
    %eq3A_20 = arith.cmpf oeq, %sub3A, %eq3A : vector<1024x1024xf32>
    %jit3A = arith.constant 1024 : i32
    %broadcast_in_dim3A_21 = vector.broadcast %jit3A : i32 to vector<1024x1024xi32>
    %select_n3A = arith.select %eq3A_20, %iota3A, %broadcast_in_dim3A_21 : vector<1024x1024xi1>, vector<1024x1024xi32>
    %reduce_min3A_22 = arith.constant dense<2147483647> : vector<1024xi32>
    %reduce_min3A_23 = vector.multi_reduction <minsi>, %select_n3A, %reduce_min3A_22 [0] : vector<1024x1024xi32> to vector<1024xi32>
    %broadcast_in_dim3A_24 = vector.shape_cast %reduce_min3A_23 : vector<1024xi32> to vector<1x1024xi32>
    %swap3A = arith.constant 0 : index
    %swap3A_25 = arith.constant 0 : index
    %swap3A_26 = vector.load %arg3[%swap3A, %swap3A_25] : memref<8x1024xi32, #tpu.memory_space<vmem>>, vector<1x1024xi32>
    tpu.vector_store %arg3[%swap3A, %swap3A_25], %broadcast_in_dim3A_24 {strides = array<i32>} : memref<8x1024xi32, #tpu.memory_space<vmem>>, vector<1x1024xi32>,
    %reduce_sum3A_27 = arith.constant dense<0.000000e+00> : vector<1xf32>
    %reduce_sum3A_28 = vector.multi_reduction <add>, %broadcast_in_dim3A_19, %reduce_sum3A_27 [1] : vector<1x1024xf32> to vector<1xf32>
    %broadcast_in_dim3A_29 = vector.shape_cast %reduce_sum3A_28 : vector<1xf32> to vector<1x1xf32>
    %add3A_30 = arith.addf %broadcast_in_dim3A_4, %broadcast_in_dim3A_29 : vector<1x1xf32>
    %get3A_31 = arith.constant 1 : index
    %get3A_32 = arith.constant 0 : index
    %get3A_33 = arith.constant 0 : index
    %get3A_34 = vector.load %arg1[%get3A_31, %get3A_32, %get3A_33] : memref<8x64x1024xf32, #tpu.memory_space<vmem>>, vector<1x64x1024xf32>
    %get3A_35 = vector.shape_cast %get3A_34 : vector<1x64x1024xf32> to vector<64x1024xf32>
    %mul3A_36 = arith.mulf %get3A_35, %get3A_35 : vector<64x1024xf32>
    %reduce_sum3A_37 = arith.constant dense<0.000000e+00> : vector<1024xf32>
    %reduce_sum3A_38 = vector.multi_reduction <add>, %mul3A_36, %reduce_sum3A_37 [0] : vector<64x1024xf32> to vector<1024xf32>
    %broadcast_in_dim3A_39 = vector.shape_cast %reduce_sum3A_38 : vector<1024xf32> to vector<1x1024xf32>
    %dot_general3A_40 = arith.constant dense<0.000000e+00> : vector<1024x1024xf32>
    %dot_general3A_41 = tpu.matmul %add3A, %get3A_35, %dot_general3A_40 {dimension_numbers = #tpu.dot_dimension_numbers<[1], [0], [0], [1], [0, 0, 1, 1], [], []>, transpose_lhs_hint = false} : vector<1024x64xf32>, vector<64x1024xf32>, vector<1024x1024xf32> -> vector<1024x1024xf32>
    %add3A_42 = vector.broadcast %broadcast_in_dim3A_39 : vector<1x1024xf32> to vector<1024x1024xf32>
    %add3A_43 = vector.broadcast %broadcast_in_dim3A : vector<1024x1xf32> to vector<1024x1024xf32>
    %add3A_44 = arith.addf %add3A_42, %add3A_43 : vector<1024x1024xf32>
    %sub3A_45 = arith.subf %add3A_44, %dot_general3A_41 : vector<1024x1024xf32>
    %reduce_min3A_46 = arith.constant dense<0x7F800000> : vector<1024xf32>
    %reduce_min3A_47 = vector.multi_reduction <minimumf>, %sub3A_45, %reduce_min3A_46 [0] : vector<1024x1024xf32> to vector<1024xf32>
    %broadcast_in_dim3A_48 = vector.shape_cast %reduce_min3A_47 : vector<1024xf32> to vector<1x1024xf32>
    %iota3A_49 = tpu.iota {dimensions = array<i32: 0>} : vector<1024x1024xi32>
    %eq3A_50 = vector.broadcast %broadcast_in_dim3A_48 : vector<1x1024xf32> to vector<1024x1024xf32>
    %eq3A_51 = arith.cmpf oeq, %sub3A_45, %eq3A_50 : vector<1024x1024xf32>
    %jit3A_52 = arith.constant 1024 : i32
    %broadcast_in_dim3A_53 = vector.broadcast %jit3A_52 : i32 to vector<1024x1024xi32>
    %select_n3A_54 = arith.select %eq3A_51, %iota3A_49, %broadcast_in_dim3A_53 : vector<1024x1024xi1>, vector<1024x1024xi32>
    %reduce_min3A_55 = arith.constant dense<2147483647> : vector<1024xi32>
    %reduce_min3A_56 = vector.multi_reduction <minsi>, %select_n3A_54, %reduce_min3A_55 [0] : vector<1024x1024xi32> to vector<1024xi32>
    %broadcast_in_dim3A_57 = vector.shape_cast %reduce_min3A_56 : vector<1024xi32> to vector<1x1024xi32>
    %swap3A_58 = arith.constant 1 : index
    %swap3A_59 = arith.constant 0 : index
    %swap3A_60 = vector.load %arg3[%swap3A_58, %swap3A_59] : memref<8x1024xi32, #tpu.memory_space<vmem>>, vector<1x1024xi32>
    tpu.vector_store %arg3[%swap3A_58, %swap3A_59], %broadcast_in_dim3A_57 {strides = array<i32>} : memref<8x1024xi32, #tpu.memory_space<vmem>>, vector<1x1024xi32>,
    %reduce_sum3A_61 = arith.constant dense<0.000000e+00> : vector<1xf32>
    %reduce_sum3A_62 = vector.multi_reduction <add>, %broadcast_in_dim3A_48, %reduce_sum3A_61 [1] : vector<1x1024xf32> to vector<1xf32>
    %broadcast_in_dim3A_63 = vector.shape_cast %reduce_sum3A_62 : vector<1xf32> to vector<1x1xf32>
    %add3A_64 = arith.addf %add3A_30, %broadcast_in_dim3A_63 : vector<1x1xf32>
    %get3A_65 = arith.constant 2 : index
    %get3A_66 = arith.constant 0 : index
    %get3A_67 = arith.constant 0 : index
    %get3A_68 = vector.load %arg1[%get3A_65, %get3A_66, %get3A_67] : memref<8x64x1024xf32, #tpu.memory_space<vmem>>, vector<1x64x1024xf32>
    %get3A_69 = vector.shape_cast %get3A_68 : vector<1x64x1024xf32> to vector<64x1024xf32>
    %mul3A_70 = arith.mulf %get3A_69, %get3A_69 : vector<64x1024xf32>
    %reduce_sum3A_71 = arith.constant dense<0.000000e+00> : vector<1024xf32>
    %reduce_sum3A_72 = vector.multi_reduction <add>, %mul3A_70, %reduce_sum3A_71 [0] : vector<64x1024xf32> to vector<1024xf32>
    %broadcast_in_dim3A_73 = vector.shape_cast %reduce_sum3A_72 : vector<1024xf32> to vector<1x1024xf32>
    %dot_general3A_74 = arith.constant dense<0.000000e+00> : vector<1024x1024xf32>
    %dot_general3A_75 = tpu.matmul %add3A, %get3A_69, %dot_general3A_74 {dimension_numbers = #tpu.dot_dimension_numbers<[1], [0], [0], [1], [0, 0, 1, 1], [], []>, transpose_lhs_hint = false} : vector<1024x64xf32>, vector<64x1024xf32>, vector<1024x1024xf32> -> vector<1024x1024xf32>
    %add3A_76 = vector.broadcast %broadcast_in_dim3A_73 : vector<1x1024xf32> to vector<1024x1024xf32>
    %add3A_77 = vector.broadcast %broadcast_in_dim3A : vector<1024x1xf32> to vector<1024x1024xf32>
    %add3A_78 = arith.addf %add3A_76, %add3A_77 : vector<1024x1024xf32>
    %sub3A_79 = arith.subf %add3A_78, %dot_general3A_75 : vector<1024x1024xf32>
    %reduce_min3A_80 = arith.constant dense<0x7F800000> : vector<1024xf32>
    %reduce_min3A_81 = vector.multi_reduction <minimumf>, %sub3A_79, %reduce_min3A_80 [0] : vector<1024x1024xf32> to vector<1024xf32>
    %broadcast_in_dim3A_82 = vector.shape_cast %reduce_min3A_81 : vector<1024xf32> to vector<1x1024xf32>
    %iota3A_83 = tpu.iota {dimensions = array<i32: 0>} : vector<1024x1024xi32>
    %eq3A_84 = vector.broadcast %broadcast_in_dim3A_82 : vector<1x1024xf32> to vector<1024x1024xf32>
    %eq3A_85 = arith.cmpf oeq, %sub3A_79, %eq3A_84 : vector<1024x1024xf32>
    %jit3A_86 = arith.constant 1024 : i32
    %broadcast_in_dim3A_87 = vector.broadcast %jit3A_86 : i32 to vector<1024x1024xi32>
    %select_n3A_88 = arith.select %eq3A_85, %iota3A_83, %broadcast_in_dim3A_87 : vector<1024x1024xi1>, vector<1024x1024xi32>
    %reduce_min3A_89 = arith.constant dense<2147483647> : vector<1024xi32>
    %reduce_min3A_90 = vector.multi_reduction <minsi>, %select_n3A_88, %reduce_min3A_89 [0] : vector<1024x1024xi32> to vector<1024xi32>
    %broadcast_in_dim3A_91 = vector.shape_cast %reduce_min3A_90 : vector<1024xi32> to vector<1x1024xi32>
    %swap3A_92 = arith.constant 2 : index
    %swap3A_93 = arith.constant 0 : index
    %swap3A_94 = vector.load %arg3[%swap3A_92, %swap3A_93] : memref<8x1024xi32, #tpu.memory_space<vmem>>, vector<1x1024xi32>
    tpu.vector_store %arg3[%swap3A_92, %swap3A_93], %broadcast_in_dim3A_91 {strides = array<i32>} : memref<8x1024xi32, #tpu.memory_space<vmem>>, vector<1x1024xi32>,
    %reduce_sum3A_95 = arith.constant dense<0.000000e+00> : vector<1xf32>
    %reduce_sum3A_96 = vector.multi_reduction <add>, %broadcast_in_dim3A_82, %reduce_sum3A_95 [1] : vector<1x1024xf32> to vector<1xf32>
    %broadcast_in_dim3A_97 = vector.shape_cast %reduce_sum3A_96 : vector<1xf32> to vector<1x1xf32>
    %add3A_98 = arith.addf %add3A_64, %broadcast_in_dim3A_97 : vector<1x1xf32>
    %get3A_99 = arith.constant 3 : index
    %get3A_100 = arith.constant 0 : index
    %get3A_101 = arith.constant 0 : index
    %get3A_102 = vector.load %arg1[%get3A_99, %get3A_100, %get3A_101] : memref<8x64x1024xf32, #tpu.memory_space<vmem>>, vector<1x64x1024xf32>
    %get3A_103 = vector.shape_cast %get3A_102 : vector<1x64x1024xf32> to vector<64x1024xf32>
    %mul3A_104 = arith.mulf %get3A_103, %get3A_103 : vector<64x1024xf32>
    %reduce_sum3A_105 = arith.constant dense<0.000000e+00> : vector<1024xf32>
    %reduce_sum3A_106 = vector.multi_reduction <add>, %mul3A_104, %reduce_sum3A_105 [0] : vector<64x1024xf32> to vector<1024xf32>
    %broadcast_in_dim3A_107 = vector.shape_cast %reduce_sum3A_106 : vector<1024xf32> to vector<1x1024xf32>
    %dot_general3A_108 = arith.constant dense<0.000000e+00> : vector<1024x1024xf32>
    %dot_general3A_109 = tpu.matmul %add3A, %get3A_103, %dot_general3A_108 {dimension_numbers = #tpu.dot_dimension_numbers<[1], [0], [0], [1], [0, 0, 1, 1], [], []>, transpose_lhs_hint = false} : vector<1024x64xf32>, vector<64x1024xf32>, vector<1024x1024xf32> -> vector<1024x1024xf32>
    %add3A_110 = vector.broadcast %broadcast_in_dim3A_107 : vector<1x1024xf32> to vector<1024x1024xf32>
    %add3A_111 = vector.broadcast %broadcast_in_dim3A : vector<1024x1xf32> to vector<1024x1024xf32>
    %add3A_112 = arith.addf %add3A_110, %add3A_111 : vector<1024x1024xf32>
    %sub3A_113 = arith.subf %add3A_112, %dot_general3A_109 : vector<1024x1024xf32>
    %reduce_min3A_114 = arith.constant dense<0x7F800000> : vector<1024xf32>
    %reduce_min3A_115 = vector.multi_reduction <minimumf>, %sub3A_113, %reduce_min3A_114 [0] : vector<1024x1024xf32> to vector<1024xf32>
    %broadcast_in_dim3A_116 = vector.shape_cast %reduce_min3A_115 : vector<1024xf32> to vector<1x1024xf32>
    %iota3A_117 = tpu.iota {dimensions = array<i32: 0>} : vector<1024x1024xi32>
    %eq3A_118 = vector.broadcast %broadcast_in_dim3A_116 : vector<1x1024xf32> to vector<1024x1024xf32>
    %eq3A_119 = arith.cmpf oeq, %sub3A_113, %eq3A_118 : vector<1024x1024xf32>
    %jit3A_120 = arith.constant 1024 : i32
    %broadcast_in_dim3A_121 = vector.broadcast %jit3A_120 : i32 to vector<1024x1024xi32>
    %select_n3A_122 = arith.select %eq3A_119, %iota3A_117, %broadcast_in_dim3A_121 : vector<1024x1024xi1>, vector<1024x1024xi32>
    %reduce_min3A_123 = arith.constant dense<2147483647> : vector<1024xi32>
    %reduce_min3A_124 = vector.multi_reduction <minsi>, %select_n3A_122, %reduce_min3A_123 [0] : vector<1024x1024xi32> to vector<1024xi32>
    %broadcast_in_dim3A_125 = vector.shape_cast %reduce_min3A_124 : vector<1024xi32> to vector<1x1024xi32>
    %swap3A_126 = arith.constant 3 : index
    %swap3A_127 = arith.constant 0 : index
    %swap3A_128 = vector.load %arg3[%swap3A_126, %swap3A_127] : memref<8x1024xi32, #tpu.memory_space<vmem>>, vector<1x1024xi32>
    tpu.vector_store %arg3[%swap3A_126, %swap3A_127], %broadcast_in_dim3A_125 {strides = array<i32>} : memref<8x1024xi32, #tpu.memory_space<vmem>>, vector<1x1024xi32>,
    %reduce_sum3A_129 = arith.constant dense<0.000000e+00> : vector<1xf32>
    %reduce_sum3A_130 = vector.multi_reduction <add>, %broadcast_in_dim3A_116, %reduce_sum3A_129 [1] : vector<1x1024xf32> to vector<1xf32>
    %broadcast_in_dim3A_131 = vector.shape_cast %reduce_sum3A_130 : vector<1xf32> to vector<1x1xf32>
    %add3A_132 = arith.addf %add3A_98, %broadcast_in_dim3A_131 : vector<1x1xf32>
    %get3A_133 = arith.constant 4 : index
    %get3A_134 = arith.constant 0 : index
    %get3A_135 = arith.constant 0 : index
    %get3A_136 = vector.load %arg1[%get3A_133, %get3A_134, %get3A_135] : memref<8x64x1024xf32, #tpu.memory_space<vmem>>, vector<1x64x1024xf32>
    %get3A_137 = vector.shape_cast %get3A_136 : vector<1x64x1024xf32> to vector<64x1024xf32>
    %mul3A_138 = arith.mulf %get3A_137, %get3A_137 : vector<64x1024xf32>
    %reduce_sum3A_139 = arith.constant dense<0.000000e+00> : vector<1024xf32>
    %reduce_sum3A_140 = vector.multi_reduction <add>, %mul3A_138, %reduce_sum3A_139 [0] : vector<64x1024xf32> to vector<1024xf32>
    %broadcast_in_dim3A_141 = vector.shape_cast %reduce_sum3A_140 : vector<1024xf32> to vector<1x1024xf32>
    %dot_general3A_142 = arith.constant dense<0.000000e+00> : vector<1024x1024xf32>
    %dot_general3A_143 = tpu.matmul %add3A, %get3A_137, %dot_general3A_142 {dimension_numbers = #tpu.dot_dimension_numbers<[1], [0], [0], [1], [0, 0, 1, 1], [], []>, transpose_lhs_hint = false} : vector<1024x64xf32>, vector<64x1024xf32>, vector<1024x1024xf32> -> vector<1024x1024xf32>
    %add3A_144 = vector.broadcast %broadcast_in_dim3A_141 : vector<1x1024xf32> to vector<1024x1024xf32>
    %add3A_145 = vector.broadcast %broadcast_in_dim3A : vector<1024x1xf32> to vector<1024x1024xf32>
    %add3A_146 = arith.addf %add3A_144, %add3A_145 : vector<1024x1024xf32>
    %sub3A_147 = arith.subf %add3A_146, %dot_general3A_143 : vector<1024x1024xf32>
    %reduce_min3A_148 = arith.constant dense<0x7F800000> : vector<1024xf32>
    %reduce_min3A_149 = vector.multi_reduction <minimumf>, %sub3A_147, %reduce_min3A_148 [0] : vector<1024x1024xf32> to vector<1024xf32>
    %broadcast_in_dim3A_150 = vector.shape_cast %reduce_min3A_149 : vector<1024xf32> to vector<1x1024xf32>
    %iota3A_151 = tpu.iota {dimensions = array<i32: 0>} : vector<1024x1024xi32>
    %eq3A_152 = vector.broadcast %broadcast_in_dim3A_150 : vector<1x1024xf32> to vector<1024x1024xf32>
    %eq3A_153 = arith.cmpf oeq, %sub3A_147, %eq3A_152 : vector<1024x1024xf32>
    %jit3A_154 = arith.constant 1024 : i32
    %broadcast_in_dim3A_155 = vector.broadcast %jit3A_154 : i32 to vector<1024x1024xi32>
    %select_n3A_156 = arith.select %eq3A_153, %iota3A_151, %broadcast_in_dim3A_155 : vector<1024x1024xi1>, vector<1024x1024xi32>
    %reduce_min3A_157 = arith.constant dense<2147483647> : vector<1024xi32>
    %reduce_min3A_158 = vector.multi_reduction <minsi>, %select_n3A_156, %reduce_min3A_157 [0] : vector<1024x1024xi32> to vector<1024xi32>
    %broadcast_in_dim3A_159 = vector.shape_cast %reduce_min3A_158 : vector<1024xi32> to vector<1x1024xi32>
    %swap3A_160 = arith.constant 4 : index
    %swap3A_161 = arith.constant 0 : index
    %swap3A_162 = vector.load %arg3[%swap3A_160, %swap3A_161] : memref<8x1024xi32, #tpu.memory_space<vmem>>, vector<1x1024xi32>
    tpu.vector_store %arg3[%swap3A_160, %swap3A_161], %broadcast_in_dim3A_159 {strides = array<i32>} : memref<8x1024xi32, #tpu.memory_space<vmem>>, vector<1x1024xi32>,
    %reduce_sum3A_163 = arith.constant dense<0.000000e+00> : vector<1xf32>
    %reduce_sum3A_164 = vector.multi_reduction <add>, %broadcast_in_dim3A_150, %reduce_sum3A_163 [1] : vector<1x1024xf32> to vector<1xf32>
    %broadcast_in_dim3A_165 = vector.shape_cast %reduce_sum3A_164 : vector<1xf32> to vector<1x1xf32>
    %add3A_166 = arith.addf %add3A_132, %broadcast_in_dim3A_165 : vector<1x1xf32>
    %get3A_167 = arith.constant 5 : index
    %get3A_168 = arith.constant 0 : index
    %get3A_169 = arith.constant 0 : index
    %get3A_170 = vector.load %arg1[%get3A_167, %get3A_168, %get3A_169] : memref<8x64x1024xf32, #tpu.memory_space<vmem>>, vector<1x64x1024xf32>
    %get3A_171 = vector.shape_cast %get3A_170 : vector<1x64x1024xf32> to vector<64x1024xf32>
    %mul3A_172 = arith.mulf %get3A_171, %get3A_171 : vector<64x1024xf32>
    %reduce_sum3A_173 = arith.constant dense<0.000000e+00> : vector<1024xf32>
    %reduce_sum3A_174 = vector.multi_reduction <add>, %mul3A_172, %reduce_sum3A_173 [0] : vector<64x1024xf32> to vector<1024xf32>
    %broadcast_in_dim3A_175 = vector.shape_cast %reduce_sum3A_174 : vector<1024xf32> to vector<1x1024xf32>
    %dot_general3A_176 = arith.constant dense<0.000000e+00> : vector<1024x1024xf32>
    %dot_general3A_177 = tpu.matmul %add3A, %get3A_171, %dot_general3A_176 {dimension_numbers = #tpu.dot_dimension_numbers<[1], [0], [0], [1], [0, 0, 1, 1], [], []>, transpose_lhs_hint = false} : vector<1024x64xf32>, vector<64x1024xf32>, vector<1024x1024xf32> -> vector<1024x1024xf32>
    %add3A_178 = vector.broadcast %broadcast_in_dim3A_175 : vector<1x1024xf32> to vector<1024x1024xf32>
    %add3A_179 = vector.broadcast %broadcast_in_dim3A : vector<1024x1xf32> to vector<1024x1024xf32>
    %add3A_180 = arith.addf %add3A_178, %add3A_179 : vector<1024x1024xf32>
    %sub3A_181 = arith.subf %add3A_180, %dot_general3A_177 : vector<1024x1024xf32>
    %reduce_min3A_182 = arith.constant dense<0x7F800000> : vector<1024xf32>
    %reduce_min3A_183 = vector.multi_reduction <minimumf>, %sub3A_181, %reduce_min3A_182 [0] : vector<1024x1024xf32> to vector<1024xf32>
    %broadcast_in_dim3A_184 = vector.shape_cast %reduce_min3A_183 : vector<1024xf32> to vector<1x1024xf32>
    %iota3A_185 = tpu.iota {dimensions = array<i32: 0>} : vector<1024x1024xi32>
    %eq3A_186 = vector.broadcast %broadcast_in_dim3A_184 : vector<1x1024xf32> to vector<1024x1024xf32>
    %eq3A_187 = arith.cmpf oeq, %sub3A_181, %eq3A_186 : vector<1024x1024xf32>
    %jit3A_188 = arith.constant 1024 : i32
    %broadcast_in_dim3A_189 = vector.broadcast %jit3A_188 : i32 to vector<1024x1024xi32>
    %select_n3A_190 = arith.select %eq3A_187, %iota3A_185, %broadcast_in_dim3A_189 : vector<1024x1024xi1>, vector<1024x1024xi32>
    %reduce_min3A_191 = arith.constant dense<2147483647> : vector<1024xi32>
    %reduce_min3A_192 = vector.multi_reduction <minsi>, %select_n3A_190, %reduce_min3A_191 [0] : vector<1024x1024xi32> to vector<1024xi32>
    %broadcast_in_dim3A_193 = vector.shape_cast %reduce_min3A_192 : vector<1024xi32> to vector<1x1024xi32>
    %swap3A_194 = arith.constant 5 : index
    %swap3A_195 = arith.constant 0 : index
    %swap3A_196 = vector.load %arg3[%swap3A_194, %swap3A_195] : memref<8x1024xi32, #tpu.memory_space<vmem>>, vector<1x1024xi32>
    tpu.vector_store %arg3[%swap3A_194, %swap3A_195], %broadcast_in_dim3A_193 {strides = array<i32>} : memref<8x1024xi32, #tpu.memory_space<vmem>>, vector<1x1024xi32>,
    %reduce_sum3A_197 = arith.constant dense<0.000000e+00> : vector<1xf32>
    %reduce_sum3A_198 = vector.multi_reduction <add>, %broadcast_in_dim3A_184, %reduce_sum3A_197 [1] : vector<1x1024xf32> to vector<1xf32>
    %broadcast_in_dim3A_199 = vector.shape_cast %reduce_sum3A_198 : vector<1xf32> to vector<1x1xf32>
    %add3A_200 = arith.addf %add3A_166, %broadcast_in_dim3A_199 : vector<1x1xf32>
    %get3A_201 = arith.constant 6 : index
    %get3A_202 = arith.constant 0 : index
    %get3A_203 = arith.constant 0 : index
    %get3A_204 = vector.load %arg1[%get3A_201, %get3A_202, %get3A_203] : memref<8x64x1024xf32, #tpu.memory_space<vmem>>, vector<1x64x1024xf32>
    %get3A_205 = vector.shape_cast %get3A_204 : vector<1x64x1024xf32> to vector<64x1024xf32>
    %mul3A_206 = arith.mulf %get3A_205, %get3A_205 : vector<64x1024xf32>
    %reduce_sum3A_207 = arith.constant dense<0.000000e+00> : vector<1024xf32>
    %reduce_sum3A_208 = vector.multi_reduction <add>, %mul3A_206, %reduce_sum3A_207 [0] : vector<64x1024xf32> to vector<1024xf32>
    %broadcast_in_dim3A_209 = vector.shape_cast %reduce_sum3A_208 : vector<1024xf32> to vector<1x1024xf32>
    %dot_general3A_210 = arith.constant dense<0.000000e+00> : vector<1024x1024xf32>
    %dot_general3A_211 = tpu.matmul %add3A, %get3A_205, %dot_general3A_210 {dimension_numbers = #tpu.dot_dimension_numbers<[1], [0], [0], [1], [0, 0, 1, 1], [], []>, transpose_lhs_hint = false} : vector<1024x64xf32>, vector<64x1024xf32>, vector<1024x1024xf32> -> vector<1024x1024xf32>
    %add3A_212 = vector.broadcast %broadcast_in_dim3A_209 : vector<1x1024xf32> to vector<1024x1024xf32>
    %add3A_213 = vector.broadcast %broadcast_in_dim3A : vector<1024x1xf32> to vector<1024x1024xf32>
    %add3A_214 = arith.addf %add3A_212, %add3A_213 : vector<1024x1024xf32>
    %sub3A_215 = arith.subf %add3A_214, %dot_general3A_211 : vector<1024x1024xf32>
    %reduce_min3A_216 = arith.constant dense<0x7F800000> : vector<1024xf32>
    %reduce_min3A_217 = vector.multi_reduction <minimumf>, %sub3A_215, %reduce_min3A_216 [0] : vector<1024x1024xf32> to vector<1024xf32>
    %broadcast_in_dim3A_218 = vector.shape_cast %reduce_min3A_217 : vector<1024xf32> to vector<1x1024xf32>
    %iota3A_219 = tpu.iota {dimensions = array<i32: 0>} : vector<1024x1024xi32>
    %eq3A_220 = vector.broadcast %broadcast_in_dim3A_218 : vector<1x1024xf32> to vector<1024x1024xf32>
    %eq3A_221 = arith.cmpf oeq, %sub3A_215, %eq3A_220 : vector<1024x1024xf32>
    %jit3A_222 = arith.constant 1024 : i32
    %broadcast_in_dim3A_223 = vector.broadcast %jit3A_222 : i32 to vector<1024x1024xi32>
    %select_n3A_224 = arith.select %eq3A_221, %iota3A_219, %broadcast_in_dim3A_223 : vector<1024x1024xi1>, vector<1024x1024xi32>
    %reduce_min3A_225 = arith.constant dense<2147483647> : vector<1024xi32>
    %reduce_min3A_226 = vector.multi_reduction <minsi>, %select_n3A_224, %reduce_min3A_225 [0] : vector<1024x1024xi32> to vector<1024xi32>
    %broadcast_in_dim3A_227 = vector.shape_cast %reduce_min3A_226 : vector<1024xi32> to vector<1x1024xi32>
    %swap3A_228 = arith.constant 6 : index
    %swap3A_229 = arith.constant 0 : index
    %swap3A_230 = vector.load %arg3[%swap3A_228, %swap3A_229] : memref<8x1024xi32, #tpu.memory_space<vmem>>, vector<1x1024xi32>
    tpu.vector_store %arg3[%swap3A_228, %swap3A_229], %broadcast_in_dim3A_227 {strides = array<i32>} : memref<8x1024xi32, #tpu.memory_space<vmem>>, vector<1x1024xi32>,
    %reduce_sum3A_231 = arith.constant dense<0.000000e+00> : vector<1xf32>
    %reduce_sum3A_232 = vector.multi_reduction <add>, %broadcast_in_dim3A_218, %reduce_sum3A_231 [1] : vector<1x1024xf32> to vector<1xf32>
    %broadcast_in_dim3A_233 = vector.shape_cast %reduce_sum3A_232 : vector<1xf32> to vector<1x1xf32>
    %add3A_234 = arith.addf %add3A_200, %broadcast_in_dim3A_233 : vector<1x1xf32>
    %get3A_235 = arith.constant 7 : index
    %get3A_236 = arith.constant 0 : index
    %get3A_237 = arith.constant 0 : index
    %get3A_238 = vector.load %arg1[%get3A_235, %get3A_236, %get3A_237] : memref<8x64x1024xf32, #tpu.memory_space<vmem>>, vector<1x64x1024xf32>
    %get3A_239 = vector.shape_cast %get3A_238 : vector<1x64x1024xf32> to vector<64x1024xf32>
    %mul3A_240 = arith.mulf %get3A_239, %get3A_239 : vector<64x1024xf32>
    %reduce_sum3A_241 = arith.constant dense<0.000000e+00> : vector<1024xf32>
    %reduce_sum3A_242 = vector.multi_reduction <add>, %mul3A_240, %reduce_sum3A_241 [0] : vector<64x1024xf32> to vector<1024xf32>
    %broadcast_in_dim3A_243 = vector.shape_cast %reduce_sum3A_242 : vector<1024xf32> to vector<1x1024xf32>
    %dot_general3A_244 = arith.constant dense<0.000000e+00> : vector<1024x1024xf32>
    %dot_general3A_245 = tpu.matmul %add3A, %get3A_239, %dot_general3A_244 {dimension_numbers = #tpu.dot_dimension_numbers<[1], [0], [0], [1], [0, 0, 1, 1], [], []>, transpose_lhs_hint = false} : vector<1024x64xf32>, vector<64x1024xf32>, vector<1024x1024xf32> -> vector<1024x1024xf32>
    %add3A_246 = vector.broadcast %broadcast_in_dim3A_243 : vector<1x1024xf32> to vector<1024x1024xf32>
    %add3A_247 = vector.broadcast %broadcast_in_dim3A : vector<1024x1xf32> to vector<1024x1024xf32>
    %add3A_248 = arith.addf %add3A_246, %add3A_247 : vector<1024x1024xf32>
    %sub3A_249 = arith.subf %add3A_248, %dot_general3A_245 : vector<1024x1024xf32>
    %reduce_min3A_250 = arith.constant dense<0x7F800000> : vector<1024xf32>
    %reduce_min3A_251 = vector.multi_reduction <minimumf>, %sub3A_249, %reduce_min3A_250 [0] : vector<1024x1024xf32> to vector<1024xf32>
    %broadcast_in_dim3A_252 = vector.shape_cast %reduce_min3A_251 : vector<1024xf32> to vector<1x1024xf32>
    %iota3A_253 = tpu.iota {dimensions = array<i32: 0>} : vector<1024x1024xi32>
    %eq3A_254 = vector.broadcast %broadcast_in_dim3A_252 : vector<1x1024xf32> to vector<1024x1024xf32>
    %eq3A_255 = arith.cmpf oeq, %sub3A_249, %eq3A_254 : vector<1024x1024xf32>
    %jit3A_256 = arith.constant 1024 : i32
    %broadcast_in_dim3A_257 = vector.broadcast %jit3A_256 : i32 to vector<1024x1024xi32>
    %select_n3A_258 = arith.select %eq3A_255, %iota3A_253, %broadcast_in_dim3A_257 : vector<1024x1024xi1>, vector<1024x1024xi32>
    %reduce_min3A_259 = arith.constant dense<2147483647> : vector<1024xi32>
    %reduce_min3A_260 = vector.multi_reduction <minsi>, %select_n3A_258, %reduce_min3A_259 [0] : vector<1024x1024xi32> to vector<1024xi32>
    %broadcast_in_dim3A_261 = vector.shape_cast %reduce_min3A_260 : vector<1024xi32> to vector<1x1024xi32>
    %swap3A_262 = arith.constant 7 : index
    %swap3A_263 = arith.constant 0 : index
    %swap3A_264 = vector.load %arg3[%swap3A_262, %swap3A_263] : memref<8x1024xi32, #tpu.memory_space<vmem>>, vector<1x1024xi32>
    tpu.vector_store %arg3[%swap3A_262, %swap3A_263], %broadcast_in_dim3A_261 {strides = array<i32>} : memref<8x1024xi32, #tpu.memory_space<vmem>>, vector<1x1024xi32>,
    %reduce_sum3A_265 = arith.constant dense<0.000000e+00> : vector<1xf32>
    %reduce_sum3A_266 = vector.multi_reduction <add>, %broadcast_in_dim3A_252, %reduce_sum3A_265 [1] : vector<1x1024xf32> to vector<1xf32>
    %broadcast_in_dim3A_267 = vector.shape_cast %reduce_sum3A_266 : vector<1xf32> to vector<1x1xf32>
    %add3A_268 = arith.addf %add3A_234, %broadcast_in_dim3A_267 : vector<1x1xf32>
    %eq3A_269 = arith.constant 0 : i32
    %eq3A_270 = arith.cmpi eq, %arg0, %eq3A_269 : i32
    %convert_element_type3A = arith.extui %eq3A_270 : i1 to i32
    %cond3A = arith.constant 0 : i32
    %cond3A_271 = arith.cmpi ne, %convert_element_type3A, %cond3A : i32
    scf.if %cond3A_271 {
      %swap3A_281 = arith.constant 0 : index
      %swap3A_282 = arith.constant 0 : index
      %swap3A_283 = vector.load %arg5[%swap3A_281, %swap3A_282] : memref<1x1xf32, #tpu.memory_space<vmem>>, vector<1x1xf32>
      tpu.vector_store %arg5[%swap3A_281, %swap3A_282], %add3A_268 {strides = array<i32>} : memref<1x1xf32, #tpu.memory_space<vmem>>, vector<1x1xf32>,
    } else {
    }
    %gt3A = arith.constant 0 : i32
    %gt3A_272 = arith.cmpi sgt, %arg0, %gt3A : i32
    %convert_element_type3A_273 = arith.extui %gt3A_272 : i1 to i32
    %cond3A_274 = arith.constant 0 : i32
    %cond3A_275 = arith.cmpi ne, %convert_element_type3A_273, %cond3A_274 : i32
    scf.if %cond3A_275 {
      %get3A_281 = arith.constant 0 : index
      %get3A_282 = arith.constant 0 : index
      %get3A_283 = vector.load %arg5[%get3A_281, %get3A_282] : memref<1x1xf32, #tpu.memory_space<vmem>>, vector<1x1xf32>
      %add3A_284 = arith.addf %get3A_283, %add3A_268 : vector<1x1xf32>
      %swap3A_285 = arith.constant 0 : index
      %swap3A_286 = arith.constant 0 : index
      %swap3A_287 = vector.load %arg5[%swap3A_285, %swap3A_286] : memref<1x1xf32, #tpu.memory_space<vmem>>, vector<1x1xf32>
      tpu.vector_store %arg5[%swap3A_285, %swap3A_286], %add3A_284 {strides = array<i32>} : memref<1x1xf32, #tpu.memory_space<vmem>>, vector<1x1xf32>,
    } else {
    }
    %eq3A_276 = arith.constant 3 : i32
    %eq3A_277 = arith.cmpi eq, %arg0, %eq3A_276 : i32
    %convert_element_type3A_278 = arith.extui %eq3A_277 : i1 to i32
    %cond3A_279 = arith.constant 0 : i32
    %cond3A_280 = arith.cmpi ne, %convert_element_type3A_278, %cond3A_279 : i32
    scf.if %cond3A_280 {
      %get3A_281 = arith.constant 0 : index
      %get3A_282 = arith.constant 0 : index
      %get3A_283 = vector.load %arg5[%get3A_281, %get3A_282] : memref<1x1xf32, #tpu.memory_space<vmem>>, vector<1x1xf32>
      %get3A_284 = vector.extract %get3A_283[0, 0] : f32 from vector<1x1xf32>
      %mul3A_285 = arith.constant 4.76837158E-7 : f32
      %mul3A_286 = arith.mulf %get3A_284, %mul3A_285 : f32
      %mul3A_287 = arith.constant 2.500000e-01 : f32
      %mul3A_288 = arith.mulf %mul3A_287, %mul3A_286 : f32
      %add3A_289 = arith.addf %mul3A_286, %mul3A_288 : f32
      %swap3A_290 = arith.constant 0 : index
      %swap3A_291 = arith.constant 0 : index
      %swap3A_292 = memref.load %arg4[%swap3A_290, %swap3A_291] : memref<1x1xf32, #tpu.memory_space<smem>>
      memref.store %add3A_289, %arg4[%swap3A_290, %swap3A_291] : memref<1x1xf32, #tpu.memory_space<smem>>
    } else {
    }
    return
  }
  func.func @transform_0(%arg0: i32) -> (i32, i32, i32) {
    %c0_i32 = arith.constant 0 : i32
    %c0_i32_0 = arith.constant 0 : i32
    %c0_i32_1 = arith.constant 0 : i32
    return %arg0, %c0_i32, %c0_i32_0 : i32, i32, i32
  }
  func.func @transform_1(%arg0: i32) -> (i32, i32) {
    %c0_i32 = arith.constant 0 : i32
    %c0_i32_0 = arith.constant 0 : i32
    %c0_i32_1 = arith.constant 0 : i32
    return %c0_i32, %c0_i32_0 : i32, i32
  }
  func.func @transform_2(%arg0: i32) -> (i32, i32) {
    %c0_i32 = arith.constant 0 : i32
    %c0_i32_0 = arith.constant 0 : i32
    return %arg0, %c0_i32 : i32, i32
  }
  func.func @transform_3(%arg0: i32) -> (i32, i32) {
    %c0_i32 = arith.constant 0 : i32
    %c0_i32_0 = arith.constant 0 : i32
    %c0_i32_1 = arith.constant 0 : i32
    return %c0_i32, %c0_i32_0 : i32, i32
  }
}

</mosaic_0001>

<sc_bundles>
// kernel: kernel.4.cloned.1.call-start
scs
__scs_entry_jumppad:
0x0: {  	(pc) =	sbr.rel $0x88, $3  }
0x1: {  	(tag) =	ssettag $0x0;
	lr =	simm.s32 $0x1  }
0x2: {  	[smem:$0x3F9F] =	sst lr;
	_ =	strace $0xD0000000  }
0x3: {  	_ = 	snop  }
0x4: {  	_ = 	snop  }
0x5: {  	_ = 	snop  }
0x6: {  	_ = 	snop  }
0x7: {  	_ = 	snop  }
__scs_overlays_trampoline_lowered:
0x8: {  	[smem:$0x3FAE] =	sst s0  }
0x9: {  	[smem:$0x3FAF] =	sst s1  }
0xa: {  	[smem:$0x3FB0] =	sst s2  }
0xb: {  	[smem:$0x3FB1] =	sst s3  }
0xc: {  	[smem:$0x3FB2] =	sst s4  }
0xd: {  	[smem:$0x3FB3] =	sst s5  }
0xe: {  	[smem:$0x3FB4] =	sst s6  }
0xf: {  	[smem:$0x3FB5] =	sst s7  }
0x10: {  	[smem:$0x3FB6] =	sst s8  }
0x11: {  	[smem:$0x3FB7] =	sst s9;
	s0 =	simm.s32 @!p0 $0x0  }
0x12: {  	s1 =	sld [smem:$0x3F9D];
	s0 =	simm.s32 @p0 $0x1  }
0x13: {  	[smem:$0x3FB8] =	sst s0;
	s0 =	simm.s32 @!p1 $0x0  }
0x14: {  	s2 =	sld [smem:$0x3F9C];
	s0 =	simm.s32 @p1 $0x1  }
0x15: {  	[smem:$0x3FB9] =	sst s0;
	s0 =	simm.s32 @!p2 $0x0  }
0x16: {  	s3 =	sld [smem:$0x3FDB];
	s0 =	simm.s32 @p2 $0x1  }
0x17: {  	s4 =	simm.s32 $0x1BF5;
	[smem:$0x3FBB] =	sst s0  }
0x18: {  	s0 =	sld [smem:$0x3F9E];
	_ =	swait.ge [sflag:s4], $0x0  }
0x19: {  	s7 =	sld [smem:$0x3F9F]  }
0x1a: {  	s8 =	sadd.s32 $0xFFFFE003, lr  }
0x1b: {  	s9 =	sadd.s32 $0xFFFFFEF7, lr;
	s5 =	simm.s32 $0xFFFFFFFF;
	p2 =	slt.u32 s8, $0xFFFFF086  }
0x1c: {  	p1 =	slt.u32 s9, $0xF7A;
	s5 =	simm.s32 @!p2 $0x0  }
0x1d: {  	s5 =	simm.s32 @p1 $0x1;
	p0 =	seq.s32 s7, s2  }
0x1e: {  	s7 =	smul.u32 @!p0 $0xF7A, s2;
	p2 =	seq.s32 @!p0 s5, $0x0  }
0x1f: {  	s9 =	smul.u32 $0xF7A, s1;
	s8 =	simm.s32 @!p0 $0x1BF5;
	p2 =	por !p2, p0  }
0x20: {  	[sflag:s8] =	ssyncset.s32 @!p0 $0xFFFFF086;
	s6 =	sadd.s32 @!p0 s3, s7;
	s7 =	simm.s32 @!p0 $0x108  }
0x21: {  	s3 =	sadd.s32 s3, s9;
	s6 =	sadd.s32 @!p0 $0x88, s6;
	s7 =	simm.s32 @p2 $0x1082  }
0x22: {  	[simem:s7], [sflag:s8] =	dma.local @!p0 [hbm:s6], $0xF7A  }
0x23: {  	s9 =	sor.u32 $0xD0000000, s2;
	s6 =	simm.s32 $0x108;
	_ =	swait.ge @!p0 [sflag:s8], $0x0  }
0x24: {  	s3 =	sadd.s32 $0x88, s3;
	s6 =	simm.s32 @!p1 $0x1082;
	[sflag:s4] =	ssyncset.s32 $0xFFFFF086  }
0x25: {  	[simem:s6], [sflag:s4] =	dma.local [hbm:s3], $0xF7A  }
0x26: {  	[smem:$0x3F9F] =	sst s1;
	(tag) =	ssettag s2;
	_ =	strace s9  }
0x27: {  	s1 =	sld [smem:$0x3FAF]  }
0x28: {  	s2 =	sld [smem:$0x3FB0]  }
0x29: {  	s4 =	sld [smem:$0x3FB2]  }
0x2a: {  	p0 =	seq.s32 s5, $0x0;
	s5 =	sld [smem:$0x3FB3]  }
0x2b: {  	s6 =	sld [smem:$0x3FB4]  }
0x2c: {  	s7 =	sld [smem:$0x3FB5]  }
0x2d: {  	s3 =	simm.s32 $0x108;
	s8 =	sld [smem:$0x3FB6]  }
0x2e: {  	s3 =	simm.s32 @!p0 $0x1082;
	s9 =	sld [smem:$0x3FB7]  }
0x2f: {  	lr =	sadd.s32 s0, s3;
	s0 =	sld [smem:$0x3FAE]  }
0x30: {  	s3 =	sld [smem:$0x3FB1]  }
0x31: {  	[smem:$0x3FBA] =	sst s10  }
0x32: {  	s10 =	sld [smem:$0x3FB8];
	_ =	sdelay $0x3  }
0x33: {  	p0 =	seq.s32 s10, $0x1;
	s10 =	sld [smem:$0x3FBA];
	_ =	sdelay $0x3  }
0x34: {  	[smem:$0x3FBA] =	sst s10  }
0x35: {  	s10 =	sld [smem:$0x3FB9];
	_ =	sdelay $0x3  }
0x36: {  	p1 =	seq.s32 s10, $0x1;
	s10 =	sld [smem:$0x3FBA];
	_ =	sdelay $0x3  }
0x37: {  	[smem:$0x3FBA] =	sst s10  }
0x38: {  	s10 =	sld [smem:$0x3FBB]  }
0x39: {  	_ = 	snop;
	(pc) =	sbr.ind lr, $3  }
0x3a: {  	_ = 	snop  }
0x3b: {  	_ = 	snop  }
0x3c: {  	p2 =	seq.s32 s10, $0x1;
	s10 =	sld [smem:$0x3FBA]  }
0x3d: {  	_ =	shalt  }
0x3e: {  	_ =	shalt  }
0x3f: {  	_ =	shalt  }
0x40: {  	_ =	shalt  }
0x41: {  	_ =	shalt  }
0x42: {  	_ =	shalt  }
0x43: {  	_ =	shalt  }
0x44: {  	_ =	shalt  }
0x45: {  	_ =	shalt  }
0x46: {  	_ =	shalt  }
0x47: {  	_ =	shalt  }
0x48: {  	_ =	shalt  }
0x49: {  	_ =	shalt  }
0x4a: {  	_ =	shalt  }
0x4b: {  	_ =	shalt  }
0x4c: {  	_ =	shalt  }
0x4d: {  	_ =	shalt  }
0x4e: {  	_ =	shalt  }
0x4f: {  	_ =	shalt  }
0x50: {  	_ =	shalt  }
0x51: {  	_ =	shalt  }
0x52: {  	_ =	shalt  }
0x53: {  	_ =	shalt  }
0x54: {  	_ =	shalt  }
0x55: {  	_ =	shalt  }
0x56: {  	_ =	shalt  }
0x57: {  	_ =	shalt  }
0x58: {  	_ =	shalt  }
0x59: {  	_ =	shalt  }
0x5a: {  	_ =	shalt  }
0x5b: {  	_ =	shalt  }
0x5c: {  	_ =	shalt  }
0x5d: {  	_ =	shalt  }
0x5e: {  	_ =	shalt  }
0x5f: {  	_ =	shalt  }
0x60: {  	_ =	shalt  }
0x61: {  	_ =	shalt  }
0x62: {  	_ =	shalt  }
0x63: {  	_ =	shalt  }
0x64: {  	_ =	shalt  }
0x65: {  	_ =	shalt  }
0x66: {  	_ =	shalt  }
0x67: {  	_ =	shalt  }
0x68: {  	_ =	shalt  }
0x69: {  	_ =	shalt  }
0x6a: {  	_ =	shalt  }
0x6b: {  	_ =	shalt  }
0x6c: {  	_ =	shalt  }
0x6d: {  	_ =	shalt  }
0x6e: {  	_ =	shalt  }
0x6f: {  	_ =	shalt  }
0x70: {  	_ =	shalt  }
0x71: {  	_ =	shalt  }
0x72: {  	_ =	shalt  }
0x73: {  	_ =	shalt  }
0x74: {  	_ =	shalt  }
0x75: {  	_ =	shalt  }
0x76: {  	_ =	shalt  }
0x77: {  	_ =	shalt  }
0x78: {  	_ =	shalt  }
0x79: {  	_ =	shalt  }
0x7a: {  	_ =	shalt  }
0x7b: {  	_ =	shalt  }
0x7c: {  	_ =	shalt  }
0x7d: {  	_ =	shalt  }
0x7e: {  	_ =	shalt  }
0x7f: {  	_ =	shalt  }
0x80: {  	_ =	shalt  }
0x81: {  	_ =	shalt  }
0x82: {  	_ =	shalt  }
0x83: {  	_ =	shalt  }
0x84: {  	_ =	shalt  }
0x85: {  	_ =	shalt  }
0x86: {  	_ =	shalt  }
0x87: {  	_ =	shalt  }
.Lfunc_end0:
.L_simem_size_0:
called_computation_lowered:
.L_overlay_start_0:
0x88: {  	s2 =	sld [smem:$0x3FD9]  }
0x89: {  	s3 =	sld [smem:$0x3FFE];
	_ =	sdelay $0x1  }
0x8a: {  	s1 =	srdreg.scid  }
0x8b: {  	s0 =	sand.u32 $0x1, s1  }
0x8c: {  	s14 =	sshll.u32 s0, $0xA;
	s2 =	sadd.s32 s3, s2  }
0x8d: {  	s2 =	sadd.s32 s2, s14  }
0x8e: {  	[smem:$0x3FC6] =	sst s2  }
0x8f: {  	_ = 	snop  }
0x90: {  	s2 =	sld [smem:$0x3FD0];
	_ =	sdelay $0x2  }
0x91: {  	s15 =	simm.s32 $0xA;
	s4 =	simm.s32 $0x10  }
0x92: {  	[smem:s4], [sflag:s15] =	dma.local [hbm:s2], $0x1  }
0x93: {  	_ =	swait.eq [sflag:s15], $0x1  }
0x94: {  	[sflag:s15] =	ssyncset.done $0x0  }
0x95: {  	[sflag:s15] =	ssyncadd.s32 $0xFFFFFFFF  }
0x96: {  	s16 =	sld [smem:$0x10];
	(tm) =	ssettm $0x1  }
0x97: {  	s17 =	sld [smem:$0x3FFB];
	_ =	sdelay $0x3  }
0x98: {  	_ =	strace s17  }
0x99: {  	s3 =	sld [smem:$0x3FFC];
	_ =	sdelay $0x3  }
0x9a: {  	_ =	strace s3  }
0x9b: {  	s3 =	sld [smem:$0x3FFD];
	_ =	sdelay $0x3  }
0x9c: {  	_ =	strace s3  }
0x9d: {  	_ =	strace $0x8FFFFFFF  }
0x9e: {  	s18 =	sld [smem:$0x3FDB];
	_ =	sdelay $0x1  }
0x9f: {  	s19 =	simm.s32 $_scs_section_size  }
0xa0: {  	s5 =	simm.s32 $_size__tile_overlayer_lowered;
	s6 =	simm.s32 $_tile_overlayer_lowered  }
0xa1: {  	s22 =	simm.s32 $0x1BFF;
	s21 =	sshll.u32 s6, $0x1;
	s3 =	sadd.s32 s19, s18  }
0xa2: {  	s7 =	simm.s32 $0x0;
	s20 =	sshll.u32 s5, $0x1;
	s5 =	sadd.s32 s21, s3  }
0xa3: {  	[timem:s7], [sflag:s22] =	dma.local [hbm:s5], s20  }
0xa4: {  	_ =	swait.ge [sflag:s22], s20  }
0xa5: {  	s4 =	ssub.s32 $0x0, s20;
	[sflag:s22] =	ssyncset.done $0x0  }
0xa6: {  	[sflag:s22] =	ssyncadd.s32 s4;
	_ =	sdelay $0x1  }
0xa7: {  	s23 =	simm.s32 $0x1B8B  }
0xa8: {  	_ =	swait.ge [sflag:s23], $0x1  }
0xa9: {  	[sflag:s23] =	ssyncset.done $0x0  }
0xaa: {  	s25 =	simm.s32 $0x1B8E;
	s24 =	sld [smem:$0x3FFE];
	[sflag:s23] =	ssyncadd.s32 $0xFFFFFFFF  }
0xab: {  	s26 =	simm.s32 $execute0_lowered;
	[smem:$0x3FD2] =	sst s25  }
0xac: {  	s5 =	sshll.u32 s26, $0x1;
	_ =	strace $0x80000046;
	[dreg:$0x1] =	wrdreg $0xFFFFFFFF  }
0xad: {  	s28 =	simm.s32 $_size_execute0_lowered;
	s3 =	sadd.s32 s3, s5;
	[dreg:$0x0] =	wrdreg $0x0  }
0xae: {  	s5 =	sshll.u32 s28, $0x1;
	[dreg:$0x2] =	wrdreg s3  }
0xaf: {  	[dreg:$0x3] =	wrdreg s5  }
0xb0: {  	[dreg:$0x4] =	wrdreg $0xC0  }
0xb1: {  	_ =	task [dreg:s7], $0x5FFFF  }
0xb2: {  	[dreg:$0x1] =	wrdreg $0xFFFFFFFF  }
0xb3: {  	[dreg:$0x0] =	wrdreg $0x60  }
0xb4: {  	[dreg:$0x2] =	wrdreg s16  }
0xb5: {  	[dreg:$0x3] =	wrdreg s24  }
0xb6: {  	[dreg:$0x4] =	wrdreg $0x9  }
0xb7: {  	_ =	task.clear_ibuf [dreg:s7], $0x5FFFF;
	_ =	strace $0x90000046  }
0xb8: {  	s29 =	simm.s32 $0x9;
	_ =	strace $0x80000048  }
0xb9: {  	_ =	swait.ge [sflag:s29], $0x1  }
0xba: {  	[sflag:s29] =	ssyncadd.s32 $0xFFFFFFFF  }
0xbb: {  	_ =	strace $0x90000048  }
0xbc: {  	_ =	sfence  }
0xbd: {  	s30 =	sld [smem:$0x0];
	_ =	sdelay $0x2  }
0xbe: {  	s31 =	sshll.u32 s1, $0xD;
	s1 =	sshrl.u32 s1, $0x2  }
0xbf: {  	s3 =	sand.u32 $0x4000, s31;
	s1 =	sadd.s32 s1, s30  }
0xc0: {  	s0 =	sor.u32 s3, s0;
	s1 =	sshll.u32 s1, $0x11  }
0xc1: {  	s0 =	sor.u32 s1, s0  }
0xc2: {  	s0 =	sadd.s32 $0x8F2B, s0  }
0xc3: {  	[sflag:s0] =	ssyncadd.remote.s32 $0x1  }
0xc4: {  	_ =	sfence.sel $0xFFFF  }
0xc5: {  	[dreg:$0x0] =	wrdreg $0xFFFFFFFF;
	(pc) =	sbr.abs _section_cstart, $3  }
0xc6: {  	[dreg:$0x1] =	wrdreg $0xFFFFFFFF  }
0xc7: {  	_ =	task.clear_ibuf [dreg:s7], $0x2FFFF;
	_ =	strace $0x9FFFFFFF  }
0xc8: {  	(tm) =	ssettm $0x7FFFFFFF  }
0xc9: {  	_ =	shalt  }
tec
execute0_lowered:
.L_overlay_start_1:
0x0: {  	(tag) =	ssettag $0x1  }
0x1: {  	s1 =	srdreg.scid  }
0x2: {  	s2 =	rddreg [dreg:$0x0];
	s0 =	stileid.u32;
	s11 =	sand.u32 $0x1, s1  }
0x3: {  	s10 =	rddreg [dreg:$0x1];
	s4 =	sshll.u32 s0, $0xB;
	s5 =	sshll.u32 s11, $0xA  }
0x4: {  	s3 =	simm.s32 $0x0;
	s1 =	rddreg [dreg:$0x2];
	s12 =	sor.u32 s5, s4  }
0x5: {  	[smem:$0x7FF] =	sst s3;
	s6 =	sadd.s32 $0x600, s10;
	s4 =	sshrl.u32 s12, $0x3  }
0x6: {  	_ =	strace $0x80000047;
	s5 =	sadd.s32 s6, s4;
	s4 =	simm.s32 $0x2  }
0x7: {  	[tilespmem:s3], [sflag:$0x2] =	stream.linear.gather [hbm4b:s5+s3], $0x200, $0x38;
	[tilespmem:$0x10400] =	vst v63  }
0x8: {  	s13 =	sor.u32 $0x200, s12;
	_ =	swait.ge [sflag:s4], $0x200  }
0x9: {  	s7 =	sshrl.u32 s13, $0x3;
	[sflag:s4] =	ssyncset.done $0x0  }
0xa: {  	s6 =	sadd.s32 s6, s7;
	s7 =	simm.s32 $0x200;
	[sflag:s4] =	ssyncadd.s32 $0xFFFFFE00  }
0xb: {  	[tilespmem:s7], [sflag:$0x2] =	stream.linear.gather [hbm4b:s6+s3], $0x200, $0x38;
	[tilespmem:$0x10400] =	vst v63  }
0xc: {  	_ =	swait.ge [sflag:s4], $0x200  }
0xd: {  	[sflag:s4] =	ssyncset.done $0x0  }
0xe: {  	s8 =	simm.s32 $0x400;
	s9 =	simm.s32 $0x1;
	[sflag:s4] =	ssyncadd.s32 $0xFFFFFE00  }
0xf: {  	[tilespmem:s8], [sflag:$0x1] =	stream.indirect.gather [hbm4b:s2+s7], $0x80, s3, s7, $0xb8;
	[tilespmem:$0x10400] =	vst v63  }
0x10: {  	_ =	swait.ge [sflag:s9], $0x10000  }
0x11: {  	s14 =	sadd.s32 $0x1600, s10;
	s29 =	sshll.u32 s12, $0x4;
	[sflag:s9] =	ssyncset.done $0x0  }
0x12: {  	s11 =	ssub.s32 $0x2, s11;
	s10 =	sadd.s32 s14, s29;
	[sflag:s9] =	ssyncadd.s32 $0xFFFF0000  }
0x13: {  	[hbm4b:s10+s3] =	stream.linear.scatter [tilespmem:s8], [sflag:$0x2], $0x10000, $0x38;
	[tilespmem:$0x10400] =	vst v63  }
0x14: {  	s30 =	sshrl.u32 s11, $0x1;
	_ =	swait.ge [sflag:s4], $0x10000  }
0x15: {  	s12 =	ssub.s32 s11, s30;
	[sflag:s4] =	ssyncset.done $0x0  }
0x16: {  	s12 =	smax.u32 s12, $0x1;
	[sflag:s4] =	ssyncadd.s32 $0xFFFF0000  }
0x17: {  	[tilespmem:s8], [sflag:$0x1] =	stream.indirect.gather [hbm4b:s2+s7], $0x80, s7, s7, $0xb8;
	[tilespmem:$0x10400] =	vst v63  }
0x18: {  	p0 =	sne.s32 s12, $0x1;
	_ =	swait.ge [sflag:s9], $0x10000  }
.Ltmp0:
0x19: {  	s31 =	sshll.u32 s13, $0x4;
	[sflag:s9] =	ssyncset.done $0x0;
	(pc) =	sbr.rel @!p0 .LBB2_2-.Ltmp0, $4  }
0x1a: {  	s11 =	sadd.s32 s14, s31;
	[sflag:s9] =	ssyncadd.s32 $0xFFFF0000  }
0x1b: {  	[hbm4b:s11+s3] =	stream.linear.scatter [tilespmem:s8], [sflag:$0x2], $0x10000, $0x38;
	[tilespmem:$0x10400] =	vst v63  }
0x1c: {  	_ =	swait.ge [sflag:s4], $0x10000  }
0x1d: {  	s12 =	sadd.s32 $0xFFFFFFFF, s12;
	[sflag:s4] =	ssyncset.done $0x0  }
.LBB2_1:
0x1e: {  	p0 =	sne.s32 s12, $0x1;
	s12 =	sadd.s32 $0xFFFFFFFF, s12;
	[sflag:s4] =	ssyncadd.s32 $0xFFFF0000  }
0x1f: {  	[tilespmem:s3], [sflag:$0x2] =	stream.linear.gather [hbm4b:s5+s3], $0x200, $0x38;
	[tilespmem:$0x10400] =	vst v63  }
0x20: {  	_ =	swait.ge [sflag:s4], $0x200  }
0x21: {  	[sflag:s4] =	ssyncset.done $0x0  }
0x22: {  	[sflag:s4] =	ssyncadd.s32 $0xFFFFFE00  }
0x23: {  	[tilespmem:s7], [sflag:$0x2] =	stream.linear.gather [hbm4b:s6+s3], $0x200, $0x38;
	[tilespmem:$0x10400] =	vst v63  }
0x24: {  	_ =	swait.ge [sflag:s4], $0x200  }
0x25: {  	[sflag:s4] =	ssyncset.done $0x0  }
0x26: {  	[sflag:s4] =	ssyncadd.s32 $0xFFFFFE00  }
0x27: {  	[tilespmem:s8], [sflag:$0x1] =	stream.indirect.gather [hbm4b:s2+s7], $0x80, s3, s7, $0xb8;
	[tilespmem:$0x10400] =	vst v63  }
0x28: {  	_ =	swait.ge [sflag:s9], $0x10000  }
0x29: {  	[sflag:s9] =	ssyncset.done $0x0  }
0x2a: {  	[sflag:s9] =	ssyncadd.s32 $0xFFFF0000  }
0x2b: {  	[hbm4b:s10+s3] =	stream.linear.scatter [tilespmem:s8], [sflag:$0x2], $0x10000, $0x38;
	[tilespmem:$0x10400] =	vst v63  }
0x2c: {  	_ =	swait.ge [sflag:s4], $0x10000  }
0x2d: {  	[sflag:s4] =	ssyncset.done $0x0  }
0x2e: {  	[sflag:s4] =	ssyncadd.s32 $0xFFFF0000  }
0x2f: {  	[tilespmem:s8], [sflag:$0x1] =	stream.indirect.gather [hbm4b:s2+s7], $0x80, s7, s7, $0xb8;
	[tilespmem:$0x10400] =	vst v63  }
0x30: {  	_ =	swait.ge [sflag:s9], $0x10000  }
.Ltmp1:
0x31: {  	[sflag:s9] =	ssyncset.done $0x0;
	(pc) =	sbr.rel @p0 .LBB2_1-.Ltmp1, $4  }
0x32: {  	[sflag:s9] =	ssyncadd.s32 $0xFFFF0000  }
0x33: {  	[hbm4b:s11+s3] =	stream.linear.scatter [tilespmem:s8], [sflag:$0x2], $0x10000, $0x38;
	[tilespmem:$0x10400] =	vst v63  }
0x34: {  	_ =	swait.ge [sflag:s4], $0x10000  }
0x35: {  	[sflag:s4] =	ssyncset.done $0x0  }
.LBB2_2:
0x36: {  	[sflag:s4] =	ssyncadd.s32 $0xFFFF0000  }
0x37: {  	_ =	sfence.sel $0x180000  }
0x38: {  	[bflag:$0x0] =	sbarrier.arrive $0xFFFF  }
0x39: {  	p0 =	sne.s32 s0, $0x0;
	_ =	strace $0x90000047  }
0x3a: {  	s0 =	sadd.s32 @!p0 $0x100000, s1;
	[bflag:$0x2] =	sbarrier.arrive $0xFFFF  }
0x3b: {  	[sflag:s0] =	ssyncadd.tile.s32 @!p0 $0x1;
	_ =	shalt  }
.Lfunc_end2:
_tile_overlayer_lowered:
.L_overlay_start_2:
0x3c: {  	(tag) =	ssettag $0x2  }
0x3d: {  	s0 =	rddreg [dreg:$0x0];
	s2 =	stileid.u32  }
0x3e: {  	s1 =	rddreg [dreg:$0x1];
	p0 =	sne.s32 s2, $0x0  }
0x3f: {  	s3 =	rddreg [dreg:$0x2];
	[bflag:$0x3] =	sbarrier.arrive $0xFFFF;
	s2 =	simm.s32 @!p0 $0x1C02  }
0x40: {  	[timem:s3], [sflag:s2] =	dma.local @!p0 [hbm:s0], s1  }
0x41: {  	s0 =	simm.s32 @!p0 $0x2  }
0x42: {  	_ =	swait.ge @!p0 [sflag:s0], s1  }
0x43: {  	s1 =	ssub.s32 @!p0 $0x0, s1;
	[sflag:s0] =	ssyncset.done @!p0 $0x0  }
0x44: {  	[sflag:s0] =	ssyncadd.s32 @!p0 s1  }
0x45: {  	[bflag:$0x3] =	sbarrier.arrive $0xFFFF  }
0x46: {  	_ =	shalt  }

</sc_bundles>
